<compile_context>
chip_gen: v7x
topology: tpu7x:2x2x1
jax: 0.10.2.dev20260603
libtpu: 0.0.44.dev20260713+nightly
codegen_flags: <defaults>
</compile_context>

<pallas_src>
import jax
import jax.numpy as jnp
from jax import lax
from jax.experimental import pallas as pl
from jax.experimental.pallas import tpu as pltpu
from jax.experimental.pallas import tpu_sc as plsc

ROWS = 16384
COLS = 2048
NC = 2
NS = 16
L = 16
NW = NC * NS
RW = ROWS // NW
R = 16
NBLK = RW // R


def _permute_body(x_hbm, perm_hbm, out_hbm, idx_v, in_v, out_v):
    cid = lax.axis_index("c")
    sid = lax.axis_index("s")
    wid = sid * NC + cid
    base = wid * RW * COLS

    pltpu.sync_copy(perm_hbm, idx_v)

    def blk_body(b, _):
        off = base + b * (R * COLS)
        pltpu.sync_copy(x_hbm.at[pl.ds(off, R * COLS)], in_v)

        def col_body(j, _):
            cols = idx_v[pl.ds(j * L, L)]
            for r in range(R):
                vals = plsc.load_gather(in_v, [cols + (r * COLS)])
                out_v[pl.ds(r * COLS + j * L, L)] = vals
            return 0

        lax.fori_loop(0, COLS // L, col_body, 0)
        pltpu.sync_copy(out_v, out_hbm.at[pl.ds(off, R * COLS)])
        return 0

    lax.fori_loop(0, NBLK, blk_body, 0)


def kernel(x, perm, perm_inv):
    del perm_inv
    perm_i32 = perm.astype(jnp.int32)
    x_flat = x.reshape(-1)
    mesh = plsc.VectorSubcoreMesh(core_axis_name="c", subcore_axis_name="s",
                                  num_cores=NC, num_subcores=NS)
    out = pl.kernel(
        _permute_body,
        out_type=jax.ShapeDtypeStruct((ROWS * COLS,), jnp.float32),
        mesh=mesh,
        scratch_types=[
            pltpu.VMEM((COLS,), jnp.int32),
            pltpu.VMEM((R * COLS,), jnp.float32),
            pltpu.VMEM((R * COLS,), jnp.float32),
        ],
        compiler_params=pltpu.CompilerParams(needs_layout_passes=False),
    )(x_flat, perm_i32)
    return (out.reshape(ROWS, COLS), 0)

# --- scband reference (transcript-rebuilt; emitter-appended) ---
"""Pipeline reference for scband-permute-random-1314259992975 (READ-ONLY COPY).

The authoritative reference and input builder live on the scoring server;
editing this copy changes nothing except your own understanding.
"""

import jax, jax.numpy as jnp
import numpy as np

IN_CHANNELS = 2048
SEED = 123456

def _make_perms():
    np.random.seed(SEED)
    perm = np.random.permutation(IN_CHANNELS)
    perm_inv = np.zeros_like(perm)
    for i, p in enumerate(perm):
        perm_inv[p] = i
    return jnp.asarray(perm, dtype=jnp.int64), jnp.asarray(perm_inv, dtype=jnp.int64)

def setup_inputs(seed: int = 0) -> dict:
    key = jax.random.key(seed)
    x = jax.random.normal(key, (16384, IN_CHANNELS), dtype=jnp.float32)
    perm, perm_inv = _make_perms()
    return {"x": x, "perm": perm, "perm_inv": perm_inv}

def reference(x, perm, perm_inv):
    # PermuteRandom.forward(x, reverse=False): gather columns by perm
    out = jnp.take(x, perm, axis=1)
    return (out, 0)

if __name__ == "__main__":
    import jax
    _d = setup_inputs()
    print(jax.jit(kernel)(*tuple(_d.values())))

</pallas_src>

<mosaic_0001>
#map = affine_map<(d0, d1) -> (0)>
module attributes {stable_mosaic.version = 14 : i64} {
  func.func @_permute_body(%arg0: i32, %arg1: i32, %arg2: memref<33554432xf32, #tpu.memory_space<hbm>>, %arg3: memref<2048xi32, #tpu.memory_space<hbm>>, %arg4: memref<33554432xf32, #tpu.memory_space<hbm>>, %arg5: memref<2048xi32, #tpu.memory_space<vmem>>, %arg6: memref<32768xf32, #tpu.memory_space<vmem>>, %arg7: memref<32768xf32, #tpu.memory_space<vmem>>) attributes {dimension_semantics = [#tpu.dimension_semantics<core_parallel>, #tpu.dimension_semantics<subcore_parallel>], iteration_bounds = array<i64: 2, 16>, scalar_prefetch = 0 : i64, scratch_operands = 3 : i64, tpu.core_type = #tpu.core_type<sc_vector_subcore>, window_params = [{transform_indices = #map}, {transform_indices = #map}, {transform_indices = #map}]} {
    %mul3A = arith.constant 2 : i32
    %mul3A_0 = arith.muli %arg1, %mul3A : i32
    %add3A = arith.addi %mul3A_0, %arg0 : i32
    %mul3A_1 = arith.constant 512 : i32
    %mul3A_2 = arith.muli %add3A, %mul3A_1 : i32
    %mul3A_3 = arith.constant 2048 : i32
    %mul3A_4 = arith.muli %mul3A_2, %mul3A_3 : i32
    "tpu.region"() ({
      %run_scoped3A = tpu.sem_alloc : memref<!tpu.dma_semaphore, #tpu.memory_space<semaphore_mem>>
      tpu.enqueue_dma source(%arg3 : memref<2048xi32, #tpu.memory_space<hbm>>) target(%arg5 : memref<2048xi32, #tpu.memory_space<vmem>>) target_semaphore(%run_scoped3A : memref<!tpu.dma_semaphore, #tpu.memory_space<semaphore_mem>>)
      tpu.wait_dma2 semaphore(%run_scoped3A : memref<!tpu.dma_semaphore, #tpu.memory_space<semaphore_mem>>) src(%arg3 : memref<2048xi32, #tpu.memory_space<hbm>>) dst(%arg5 : memref<2048xi32, #tpu.memory_space<vmem>>)
      tpu.yield
    }) : () -> ()
    %scan3A = arith.constant 0 : i32
    %scan3A_5 = arith.constant 0 : i32
    %scan3A_6 = arith.constant 32 : i32
    %scan3A_7 = arith.addi %scan3A_5, %scan3A_6 : i32
    %scan3A_8 = arith.constant 1 : i32
    %scan3A_9 = scf.for %scan3A_11 = %scan3A_5 to %scan3A_7 step %scan3A_8 iter_args(%scan3A_12 = %scan3A) -> (i32)  : i32 {
      %mul3A_13 = arith.constant 32768 : i32
      %mul3A_14 = arith.muli %scan3A_11, %mul3A_13 : i32
      %add3A_15 = arith.addi %mul3A_4, %mul3A_14 : i32
      "tpu.region"() ({
        %run_scoped3A = tpu.sem_alloc : memref<!tpu.dma_semaphore, #tpu.memory_space<semaphore_mem>>
        %dma_start3A = tpu.memref_slice %arg2[%add3A_15] : memref<33554432xf32, #tpu.memory_space<hbm>> -> memref<32768xf32, #tpu.memory_space<hbm>>
        %dma_start3A_24 = tpu.memref_slice %arg2[%add3A_15] : memref<33554432xf32, #tpu.memory_space<hbm>> -> memref<32768xf32, #tpu.memory_space<hbm>>
        tpu.enqueue_dma source(%dma_start3A_24 : memref<32768xf32, #tpu.memory_space<hbm>>) target(%arg6 : memref<32768xf32, #tpu.memory_space<vmem>>) target_semaphore(%run_scoped3A : memref<!tpu.dma_semaphore, #tpu.memory_space<semaphore_mem>>)
        %dma_wait3A = tpu.memref_slice %arg2[%add3A_15] : memref<33554432xf32, #tpu.memory_space<hbm>> -> memref<32768xf32, #tpu.memory_space<hbm>>
        %dma_wait3A_25 = tpu.memref_slice %arg2[%add3A_15] : memref<33554432xf32, #tpu.memory_space<hbm>> -> memref<32768xf32, #tpu.memory_space<hbm>>
        tpu.wait_dma2 semaphore(%run_scoped3A : memref<!tpu.dma_semaphore, #tpu.memory_space<semaphore_mem>>) src(%dma_wait3A_25 : memref<32768xf32, #tpu.memory_space<hbm>>) dst(%arg6 : memref<32768xf32, #tpu.memory_space<vmem>>)
        tpu.yield
      }) : () -> ()
      %scan3A_16 = arith.constant 0 : i32
      %scan3A_17 = arith.constant 0 : i32
      %scan3A_18 = arith.constant 128 : i32
      %scan3A_19 = arith.addi %scan3A_17, %scan3A_18 : i32
      %scan3A_20 = arith.constant 1 : i32
      %scan3A_21 = scf.for %scan3A_24 = %scan3A_17 to %scan3A_19 step %scan3A_20 iter_args(%scan3A_25 = %scan3A_16) -> (i32)  : i32 {
        %mul3A_26 = arith.constant 16 : i32
        %mul3A_27 = arith.muli %scan3A_24, %mul3A_26 : i32
        %get3A = arith.index_cast %mul3A_27 : i32 to index
        %get3A_28 = tpu.vector_load %arg5[%get3A] {strides = array<i32>} : memref<2048xi32, #tpu.memory_space<vmem>>, vector<16xi32>,
        %add3A_29 = arith.constant 0 : i32
        %add3A_30 = vector.broadcast %add3A_29 : i32 to vector<16xi32>
        %add3A_31 = arith.addi %get3A_28, %add3A_30 : vector<16xi32>
        %gather3A = tpu.vector_load_idx %arg6[%add3A_31] : memref<32768xf32, #tpu.memory_space<vmem>>[vector<16xi32>], vector<16xf32>,
        %mul3A_32 = arith.constant 16 : i32
        %mul3A_33 = arith.muli %scan3A_24, %mul3A_32 : i32
        %add3A_34 = arith.constant 0 : i32
        %add3A_35 = arith.addi %add3A_34, %mul3A_33 : i32
        %swap3A = arith.index_cast %add3A_35 : i32 to index
        %swap3A_36 = tpu.vector_load %arg7[%swap3A] {strides = array<i32>} : memref<32768xf32, #tpu.memory_space<vmem>>, vector<16xf32>,
        tpu.vector_store %arg7[%swap3A], %gather3A {strides = array<i32>} : memref<32768xf32, #tpu.memory_space<vmem>>, vector<16xf32>,
        %add3A_37 = arith.constant 2048 : i32
        %add3A_38 = vector.broadcast %add3A_37 : i32 to vector<16xi32>
        %add3A_39 = arith.addi %get3A_28, %add3A_38 : vector<16xi32>
        %gather3A_40 = tpu.vector_load_idx %arg6[%add3A_39] : memref<32768xf32, #tpu.memory_space<vmem>>[vector<16xi32>], vector<16xf32>,
        %mul3A_41 = arith.constant 16 : i32
        %mul3A_42 = arith.muli %scan3A_24, %mul3A_41 : i32
        %add3A_43 = arith.constant 2048 : i32
        %add3A_44 = arith.addi %add3A_43, %mul3A_42 : i32
        %swap3A_45 = arith.index_cast %add3A_44 : i32 to index
        %swap3A_46 = tpu.vector_load %arg7[%swap3A_45] {strides = array<i32>} : memref<32768xf32, #tpu.memory_space<vmem>>, vector<16xf32>,
        tpu.vector_store %arg7[%swap3A_45], %gather3A_40 {strides = array<i32>} : memref<32768xf32, #tpu.memory_space<vmem>>, vector<16xf32>,
        %add3A_47 = arith.constant 4096 : i32
        %add3A_48 = vector.broadcast %add3A_47 : i32 to vector<16xi32>
        %add3A_49 = arith.addi %get3A_28, %add3A_48 : vector<16xi32>
        %gather3A_50 = tpu.vector_load_idx %arg6[%add3A_49] : memref<32768xf32, #tpu.memory_space<vmem>>[vector<16xi32>], vector<16xf32>,
        %mul3A_51 = arith.constant 16 : i32
        %mul3A_52 = arith.muli %scan3A_24, %mul3A_51 : i32
        %add3A_53 = arith.constant 4096 : i32
        %add3A_54 = arith.addi %add3A_53, %mul3A_52 : i32
        %swap3A_55 = arith.index_cast %add3A_54 : i32 to index
        %swap3A_56 = tpu.vector_load %arg7[%swap3A_55] {strides = array<i32>} : memref<32768xf32, #tpu.memory_space<vmem>>, vector<16xf32>,
        tpu.vector_store %arg7[%swap3A_55], %gather3A_50 {strides = array<i32>} : memref<32768xf32, #tpu.memory_space<vmem>>, vector<16xf32>,
        %add3A_57 = arith.constant 6144 : i32
        %add3A_58 = vector.broadcast %add3A_57 : i32 to vector<16xi32>
        %add3A_59 = arith.addi %get3A_28, %add3A_58 : vector<16xi32>
        %gather3A_60 = tpu.vector_load_idx %arg6[%add3A_59] : memref<32768xf32, #tpu.memory_space<vmem>>[vector<16xi32>], vector<16xf32>,
        %mul3A_61 = arith.constant 16 : i32
        %mul3A_62 = arith.muli %scan3A_24, %mul3A_61 : i32
        %add3A_63 = arith.constant 6144 : i32
        %add3A_64 = arith.addi %add3A_63, %mul3A_62 : i32
        %swap3A_65 = arith.index_cast %add3A_64 : i32 to index
        %swap3A_66 = tpu.vector_load %arg7[%swap3A_65] {strides = array<i32>} : memref<32768xf32, #tpu.memory_space<vmem>>, vector<16xf32>,
        tpu.vector_store %arg7[%swap3A_65], %gather3A_60 {strides = array<i32>} : memref<32768xf32, #tpu.memory_space<vmem>>, vector<16xf32>,
        %add3A_67 = arith.constant 8192 : i32
        %add3A_68 = vector.broadcast %add3A_67 : i32 to vector<16xi32>
        %add3A_69 = arith.addi %get3A_28, %add3A_68 : vector<16xi32>
        %gather3A_70 = tpu.vector_load_idx %arg6[%add3A_69] : memref<32768xf32, #tpu.memory_space<vmem>>[vector<16xi32>], vector<16xf32>,
        %mul3A_71 = arith.constant 16 : i32
        %mul3A_72 = arith.muli %scan3A_24, %mul3A_71 : i32
        %add3A_73 = arith.constant 8192 : i32
        %add3A_74 = arith.addi %add3A_73, %mul3A_72 : i32
        %swap3A_75 = arith.index_cast %add3A_74 : i32 to index
        %swap3A_76 = tpu.vector_load %arg7[%swap3A_75] {strides = array<i32>} : memref<32768xf32, #tpu.memory_space<vmem>>, vector<16xf32>,
        tpu.vector_store %arg7[%swap3A_75], %gather3A_70 {strides = array<i32>} : memref<32768xf32, #tpu.memory_space<vmem>>, vector<16xf32>,
        %add3A_77 = arith.constant 10240 : i32
        %add3A_78 = vector.broadcast %add3A_77 : i32 to vector<16xi32>
        %add3A_79 = arith.addi %get3A_28, %add3A_78 : vector<16xi32>
        %gather3A_80 = tpu.vector_load_idx %arg6[%add3A_79] : memref<32768xf32, #tpu.memory_space<vmem>>[vector<16xi32>], vector<16xf32>,
        %mul3A_81 = arith.constant 16 : i32
        %mul3A_82 = arith.muli %scan3A_24, %mul3A_81 : i32
        %add3A_83 = arith.constant 10240 : i32
        %add3A_84 = arith.addi %add3A_83, %mul3A_82 : i32
        %swap3A_85 = arith.index_cast %add3A_84 : i32 to index
        %swap3A_86 = tpu.vector_load %arg7[%swap3A_85] {strides = array<i32>} : memref<32768xf32, #tpu.memory_space<vmem>>, vector<16xf32>,
        tpu.vector_store %arg7[%swap3A_85], %gather3A_80 {strides = array<i32>} : memref<32768xf32, #tpu.memory_space<vmem>>, vector<16xf32>,
        %add3A_87 = arith.constant 12288 : i32
        %add3A_88 = vector.broadcast %add3A_87 : i32 to vector<16xi32>
        %add3A_89 = arith.addi %get3A_28, %add3A_88 : vector<16xi32>
        %gather3A_90 = tpu.vector_load_idx %arg6[%add3A_89] : memref<32768xf32, #tpu.memory_space<vmem>>[vector<16xi32>], vector<16xf32>,
        %mul3A_91 = arith.constant 16 : i32
        %mul3A_92 = arith.muli %scan3A_24, %mul3A_91 : i32
        %add3A_93 = arith.constant 12288 : i32
        %add3A_94 = arith.addi %add3A_93, %mul3A_92 : i32
        %swap3A_95 = arith.index_cast %add3A_94 : i32 to index
        %swap3A_96 = tpu.vector_load %arg7[%swap3A_95] {strides = array<i32>} : memref<32768xf32, #tpu.memory_space<vmem>>, vector<16xf32>,
        tpu.vector_store %arg7[%swap3A_95], %gather3A_90 {strides = array<i32>} : memref<32768xf32, #tpu.memory_space<vmem>>, vector<16xf32>,
        %add3A_97 = arith.constant 14336 : i32
        %add3A_98 = vector.broadcast %add3A_97 : i32 to vector<16xi32>
        %add3A_99 = arith.addi %get3A_28, %add3A_98 : vector<16xi32>
        %gather3A_100 = tpu.vector_load_idx %arg6[%add3A_99] : memref<32768xf32, #tpu.memory_space<vmem>>[vector<16xi32>], vector<16xf32>,
        %mul3A_101 = arith.constant 16 : i32
        %mul3A_102 = arith.muli %scan3A_24, %mul3A_101 : i32
        %add3A_103 = arith.constant 14336 : i32
        %add3A_104 = arith.addi %add3A_103, %mul3A_102 : i32
        %swap3A_105 = arith.index_cast %add3A_104 : i32 to index
        %swap3A_106 = tpu.vector_load %arg7[%swap3A_105] {strides = array<i32>} : memref<32768xf32, #tpu.memory_space<vmem>>, vector<16xf32>,
        tpu.vector_store %arg7[%swap3A_105], %gather3A_100 {strides = array<i32>} : memref<32768xf32, #tpu.memory_space<vmem>>, vector<16xf32>,
        %add3A_107 = arith.constant 16384 : i32
        %add3A_108 = vector.broadcast %add3A_107 : i32 to vector<16xi32>
        %add3A_109 = arith.addi %get3A_28, %add3A_108 : vector<16xi32>
        %gather3A_110 = tpu.vector_load_idx %arg6[%add3A_109] : memref<32768xf32, #tpu.memory_space<vmem>>[vector<16xi32>], vector<16xf32>,
        %mul3A_111 = arith.constant 16 : i32
        %mul3A_112 = arith.muli %scan3A_24, %mul3A_111 : i32
        %add3A_113 = arith.constant 16384 : i32
        %add3A_114 = arith.addi %add3A_113, %mul3A_112 : i32
        %swap3A_115 = arith.index_cast %add3A_114 : i32 to index
        %swap3A_116 = tpu.vector_load %arg7[%swap3A_115] {strides = array<i32>} : memref<32768xf32, #tpu.memory_space<vmem>>, vector<16xf32>,
        tpu.vector_store %arg7[%swap3A_115], %gather3A_110 {strides = array<i32>} : memref<32768xf32, #tpu.memory_space<vmem>>, vector<16xf32>,
        %add3A_117 = arith.constant 18432 : i32
        %add3A_118 = vector.broadcast %add3A_117 : i32 to vector<16xi32>
        %add3A_119 = arith.addi %get3A_28, %add3A_118 : vector<16xi32>
        %gather3A_120 = tpu.vector_load_idx %arg6[%add3A_119] : memref<32768xf32, #tpu.memory_space<vmem>>[vector<16xi32>], vector<16xf32>,
        %mul3A_121 = arith.constant 16 : i32
        %mul3A_122 = arith.muli %scan3A_24, %mul3A_121 : i32
        %add3A_123 = arith.constant 18432 : i32
        %add3A_124 = arith.addi %add3A_123, %mul3A_122 : i32
        %swap3A_125 = arith.index_cast %add3A_124 : i32 to index
        %swap3A_126 = tpu.vector_load %arg7[%swap3A_125] {strides = array<i32>} : memref<32768xf32, #tpu.memory_space<vmem>>, vector<16xf32>,
        tpu.vector_store %arg7[%swap3A_125], %gather3A_120 {strides = array<i32>} : memref<32768xf32, #tpu.memory_space<vmem>>, vector<16xf32>,
        %add3A_127 = arith.constant 20480 : i32
        %add3A_128 = vector.broadcast %add3A_127 : i32 to vector<16xi32>
        %add3A_129 = arith.addi %get3A_28, %add3A_128 : vector<16xi32>
        %gather3A_130 = tpu.vector_load_idx %arg6[%add3A_129] : memref<32768xf32, #tpu.memory_space<vmem>>[vector<16xi32>], vector<16xf32>,
        %mul3A_131 = arith.constant 16 : i32
        %mul3A_132 = arith.muli %scan3A_24, %mul3A_131 : i32
        %add3A_133 = arith.constant 20480 : i32
        %add3A_134 = arith.addi %add3A_133, %mul3A_132 : i32
        %swap3A_135 = arith.index_cast %add3A_134 : i32 to index
        %swap3A_136 = tpu.vector_load %arg7[%swap3A_135] {strides = array<i32>} : memref<32768xf32, #tpu.memory_space<vmem>>, vector<16xf32>,
        tpu.vector_store %arg7[%swap3A_135], %gather3A_130 {strides = array<i32>} : memref<32768xf32, #tpu.memory_space<vmem>>, vector<16xf32>,
        %add3A_137 = arith.constant 22528 : i32
        %add3A_138 = vector.broadcast %add3A_137 : i32 to vector<16xi32>
        %add3A_139 = arith.addi %get3A_28, %add3A_138 : vector<16xi32>
        %gather3A_140 = tpu.vector_load_idx %arg6[%add3A_139] : memref<32768xf32, #tpu.memory_space<vmem>>[vector<16xi32>], vector<16xf32>,
        %mul3A_141 = arith.constant 16 : i32
        %mul3A_142 = arith.muli %scan3A_24, %mul3A_141 : i32
        %add3A_143 = arith.constant 22528 : i32
        %add3A_144 = arith.addi %add3A_143, %mul3A_142 : i32
        %swap3A_145 = arith.index_cast %add3A_144 : i32 to index
        %swap3A_146 = tpu.vector_load %arg7[%swap3A_145] {strides = array<i32>} : memref<32768xf32, #tpu.memory_space<vmem>>, vector<16xf32>,
        tpu.vector_store %arg7[%swap3A_145], %gather3A_140 {strides = array<i32>} : memref<32768xf32, #tpu.memory_space<vmem>>, vector<16xf32>,
        %add3A_147 = arith.constant 24576 : i32
        %add3A_148 = vector.broadcast %add3A_147 : i32 to vector<16xi32>
        %add3A_149 = arith.addi %get3A_28, %add3A_148 : vector<16xi32>
        %gather3A_150 = tpu.vector_load_idx %arg6[%add3A_149] : memref<32768xf32, #tpu.memory_space<vmem>>[vector<16xi32>], vector<16xf32>,
        %mul3A_151 = arith.constant 16 : i32
        %mul3A_152 = arith.muli %scan3A_24, %mul3A_151 : i32
        %add3A_153 = arith.constant 24576 : i32
        %add3A_154 = arith.addi %add3A_153, %mul3A_152 : i32
        %swap3A_155 = arith.index_cast %add3A_154 : i32 to index
        %swap3A_156 = tpu.vector_load %arg7[%swap3A_155] {strides = array<i32>} : memref<32768xf32, #tpu.memory_space<vmem>>, vector<16xf32>,
        tpu.vector_store %arg7[%swap3A_155], %gather3A_150 {strides = array<i32>} : memref<32768xf32, #tpu.memory_space<vmem>>, vector<16xf32>,
        %add3A_157 = arith.constant 26624 : i32
        %add3A_158 = vector.broadcast %add3A_157 : i32 to vector<16xi32>
        %add3A_159 = arith.addi %get3A_28, %add3A_158 : vector<16xi32>
        %gather3A_160 = tpu.vector_load_idx %arg6[%add3A_159] : memref<32768xf32, #tpu.memory_space<vmem>>[vector<16xi32>], vector<16xf32>,
        %mul3A_161 = arith.constant 16 : i32
        %mul3A_162 = arith.muli %scan3A_24, %mul3A_161 : i32
        %add3A_163 = arith.constant 26624 : i32
        %add3A_164 = arith.addi %add3A_163, %mul3A_162 : i32
        %swap3A_165 = arith.index_cast %add3A_164 : i32 to index
        %swap3A_166 = tpu.vector_load %arg7[%swap3A_165] {strides = array<i32>} : memref<32768xf32, #tpu.memory_space<vmem>>, vector<16xf32>,
        tpu.vector_store %arg7[%swap3A_165], %gather3A_160 {strides = array<i32>} : memref<32768xf32, #tpu.memory_space<vmem>>, vector<16xf32>,
        %add3A_167 = arith.constant 28672 : i32
        %add3A_168 = vector.broadcast %add3A_167 : i32 to vector<16xi32>
        %add3A_169 = arith.addi %get3A_28, %add3A_168 : vector<16xi32>
        %gather3A_170 = tpu.vector_load_idx %arg6[%add3A_169] : memref<32768xf32, #tpu.memory_space<vmem>>[vector<16xi32>], vector<16xf32>,
        %mul3A_171 = arith.constant 16 : i32
        %mul3A_172 = arith.muli %scan3A_24, %mul3A_171 : i32
        %add3A_173 = arith.constant 28672 : i32
        %add3A_174 = arith.addi %add3A_173, %mul3A_172 : i32
        %swap3A_175 = arith.index_cast %add3A_174 : i32 to index
        %swap3A_176 = tpu.vector_load %arg7[%swap3A_175] {strides = array<i32>} : memref<32768xf32, #tpu.memory_space<vmem>>, vector<16xf32>,
        tpu.vector_store %arg7[%swap3A_175], %gather3A_170 {strides = array<i32>} : memref<32768xf32, #tpu.memory_space<vmem>>, vector<16xf32>,
        %add3A_177 = arith.constant 30720 : i32
        %add3A_178 = vector.broadcast %add3A_177 : i32 to vector<16xi32>
        %add3A_179 = arith.addi %get3A_28, %add3A_178 : vector<16xi32>
        %gather3A_180 = tpu.vector_load_idx %arg6[%add3A_179] : memref<32768xf32, #tpu.memory_space<vmem>>[vector<16xi32>], vector<16xf32>,
        %mul3A_181 = arith.constant 16 : i32
        %mul3A_182 = arith.muli %scan3A_24, %mul3A_181 : i32
        %add3A_183 = arith.constant 30720 : i32
        %add3A_184 = arith.addi %add3A_183, %mul3A_182 : i32
        %swap3A_185 = arith.index_cast %add3A_184 : i32 to index
        %swap3A_186 = tpu.vector_load %arg7[%swap3A_185] {strides = array<i32>} : memref<32768xf32, #tpu.memory_space<vmem>>, vector<16xf32>,
        tpu.vector_store %arg7[%swap3A_185], %gather3A_180 {strides = array<i32>} : memref<32768xf32, #tpu.memory_space<vmem>>, vector<16xf32>,
        %scan3A_187 = arith.constant 0 : i32
        scf.yield %scan3A_187 : i32
      }
      %scan3A_22 = arith.constant 128 : i32
      "tpu.region"() ({
        %run_scoped3A = tpu.sem_alloc : memref<!tpu.dma_semaphore, #tpu.memory_space<semaphore_mem>>
        %dma_start3A = tpu.memref_slice %arg4[%add3A_15] : memref<33554432xf32, #tpu.memory_space<hbm>> -> memref<32768xf32, #tpu.memory_space<hbm>>
        %dma_start3A_24 = tpu.memref_slice %arg4[%add3A_15] : memref<33554432xf32, #tpu.memory_space<hbm>> -> memref<32768xf32, #tpu.memory_space<hbm>>
        tpu.enqueue_dma source(%arg7 : memref<32768xf32, #tpu.memory_space<vmem>>) target(%dma_start3A_24 : memref<32768xf32, #tpu.memory_space<hbm>>) target_semaphore(%run_scoped3A : memref<!tpu.dma_semaphore, #tpu.memory_space<semaphore_mem>>)
        %dma_wait3A = tpu.memref_slice %arg4[%add3A_15] : memref<33554432xf32, #tpu.memory_space<hbm>> -> memref<32768xf32, #tpu.memory_space<hbm>>
        %dma_wait3A_25 = tpu.memref_slice %arg4[%add3A_15] : memref<33554432xf32, #tpu.memory_space<hbm>> -> memref<32768xf32, #tpu.memory_space<hbm>>
        tpu.wait_dma2 semaphore(%run_scoped3A : memref<!tpu.dma_semaphore, #tpu.memory_space<semaphore_mem>>) src(%arg7 : memref<32768xf32, #tpu.memory_space<vmem>>) dst(%dma_wait3A_25 : memref<32768xf32, #tpu.memory_space<hbm>>)
        tpu.yield
      }) : () -> ()
      %scan3A_23 = arith.constant 0 : i32
      scf.yield %scan3A_23 : i32
    }
    %scan3A_10 = arith.constant 32 : i32
    return
  }
}

</mosaic_0001>

<sc_bundles>
// kernel: kernel.3.cloned.1.call-start
scs
__scs_entry_jumppad:
0x0: {  	(pc) =	sbr.rel $0x88, $3  }
0x1: {  	(tag) =	ssettag $0x0;
	lr =	simm.s32 $0x1  }
0x2: {  	[smem:$0x3F9F] =	sst lr;
	_ =	strace $0xD0000000  }
0x3: {  	_ = 	snop  }
0x4: {  	_ = 	snop  }
0x5: {  	_ = 	snop  }
0x6: {  	_ = 	snop  }
0x7: {  	_ = 	snop  }
__scs_overlays_trampoline_lowered:
0x8: {  	[smem:$0x3FAE] =	sst s0  }
0x9: {  	[smem:$0x3FAF] =	sst s1  }
0xa: {  	[smem:$0x3FB0] =	sst s2  }
0xb: {  	[smem:$0x3FB1] =	sst s3  }
0xc: {  	[smem:$0x3FB2] =	sst s4  }
0xd: {  	[smem:$0x3FB3] =	sst s5  }
0xe: {  	[smem:$0x3FB4] =	sst s6  }
0xf: {  	[smem:$0x3FB5] =	sst s7  }
0x10: {  	[smem:$0x3FB6] =	sst s8  }
0x11: {  	[smem:$0x3FB7] =	sst s9;
	s0 =	simm.s32 @!p0 $0x0  }
0x12: {  	s1 =	sld [smem:$0x3F9D];
	s0 =	simm.s32 @p0 $0x1  }
0x13: {  	[smem:$0x3FB8] =	sst s0;
	s0 =	simm.s32 @!p1 $0x0  }
0x14: {  	s2 =	sld [smem:$0x3F9C];
	s0 =	simm.s32 @p1 $0x1  }
0x15: {  	[smem:$0x3FB9] =	sst s0;
	s0 =	simm.s32 @!p2 $0x0  }
0x16: {  	s3 =	sld [smem:$0x3FDB];
	s0 =	simm.s32 @p2 $0x1  }
0x17: {  	s4 =	simm.s32 $0x1BF5;
	[smem:$0x3FBB] =	sst s0  }
0x18: {  	s0 =	sld [smem:$0x3F9E];
	_ =	swait.ge [sflag:s4], $0x0  }
0x19: {  	s7 =	sld [smem:$0x3F9F]  }
0x1a: {  	s8 =	sadd.s32 $0xFFFFE003, lr  }
0x1b: {  	s9 =	sadd.s32 $0xFFFFFEF7, lr;
	s5 =	simm.s32 $0xFFFFFFFF;
	p2 =	slt.u32 s8, $0xFFFFF086  }
0x1c: {  	p1 =	slt.u32 s9, $0xF7A;
	s5 =	simm.s32 @!p2 $0x0  }
0x1d: {  	s5 =	simm.s32 @p1 $0x1;
	p0 =	seq.s32 s7, s2  }
0x1e: {  	s7 =	smul.u32 @!p0 $0xF7A, s2;
	p2 =	seq.s32 @!p0 s5, $0x0  }
0x1f: {  	s9 =	smul.u32 $0xF7A, s1;
	s8 =	simm.s32 @!p0 $0x1BF5;
	p2 =	por !p2, p0  }
0x20: {  	[sflag:s8] =	ssyncset.s32 @!p0 $0xFFFFF086;
	s6 =	sadd.s32 @!p0 s3, s7;
	s7 =	simm.s32 @!p0 $0x108  }
0x21: {  	s3 =	sadd.s32 s3, s9;
	s6 =	sadd.s32 @!p0 $0x88, s6;
	s7 =	simm.s32 @p2 $0x1082  }
0x22: {  	[simem:s7], [sflag:s8] =	dma.local @!p0 [hbm:s6], $0xF7A  }
0x23: {  	s9 =	sor.u32 $0xD0000000, s2;
	s6 =	simm.s32 $0x108;
	_ =	swait.ge @!p0 [sflag:s8], $0x0  }
0x24: {  	s3 =	sadd.s32 $0x88, s3;
	s6 =	simm.s32 @!p1 $0x1082;
	[sflag:s4] =	ssyncset.s32 $0xFFFFF086  }
0x25: {  	[simem:s6], [sflag:s4] =	dma.local [hbm:s3], $0xF7A  }
0x26: {  	[smem:$0x3F9F] =	sst s1;
	(tag) =	ssettag s2;
	_ =	strace s9  }
0x27: {  	s1 =	sld [smem:$0x3FAF]  }
0x28: {  	s2 =	sld [smem:$0x3FB0]  }
0x29: {  	s4 =	sld [smem:$0x3FB2]  }
0x2a: {  	p0 =	seq.s32 s5, $0x0;
	s5 =	sld [smem:$0x3FB3]  }
0x2b: {  	s6 =	sld [smem:$0x3FB4]  }
0x2c: {  	s7 =	sld [smem:$0x3FB5]  }
0x2d: {  	s3 =	simm.s32 $0x108;
	s8 =	sld [smem:$0x3FB6]  }
0x2e: {  	s3 =	simm.s32 @!p0 $0x1082;
	s9 =	sld [smem:$0x3FB7]  }
0x2f: {  	lr =	sadd.s32 s0, s3;
	s0 =	sld [smem:$0x3FAE]  }
0x30: {  	s3 =	sld [smem:$0x3FB1]  }
0x31: {  	[smem:$0x3FBA] =	sst s10  }
0x32: {  	s10 =	sld [smem:$0x3FB8];
	_ =	sdelay $0x3  }
0x33: {  	p0 =	seq.s32 s10, $0x1;
	s10 =	sld [smem:$0x3FBA];
	_ =	sdelay $0x3  }
0x34: {  	[smem:$0x3FBA] =	sst s10  }
0x35: {  	s10 =	sld [smem:$0x3FB9];
	_ =	sdelay $0x3  }
0x36: {  	p1 =	seq.s32 s10, $0x1;
	s10 =	sld [smem:$0x3FBA];
	_ =	sdelay $0x3  }
0x37: {  	[smem:$0x3FBA] =	sst s10  }
0x38: {  	s10 =	sld [smem:$0x3FBB]  }
0x39: {  	_ = 	snop;
	(pc) =	sbr.ind lr, $3  }
0x3a: {  	_ = 	snop  }
0x3b: {  	_ = 	snop  }
0x3c: {  	p2 =	seq.s32 s10, $0x1;
	s10 =	sld [smem:$0x3FBA]  }
0x3d: {  	_ =	shalt  }
0x3e: {  	_ =	shalt  }
0x3f: {  	_ =	shalt  }
0x40: {  	_ =	shalt  }
0x41: {  	_ =	shalt  }
0x42: {  	_ =	shalt  }
0x43: {  	_ =	shalt  }
0x44: {  	_ =	shalt  }
0x45: {  	_ =	shalt  }
0x46: {  	_ =	shalt  }
0x47: {  	_ =	shalt  }
0x48: {  	_ =	shalt  }
0x49: {  	_ =	shalt  }
0x4a: {  	_ =	shalt  }
0x4b: {  	_ =	shalt  }
0x4c: {  	_ =	shalt  }
0x4d: {  	_ =	shalt  }
0x4e: {  	_ =	shalt  }
0x4f: {  	_ =	shalt  }
0x50: {  	_ =	shalt  }
0x51: {  	_ =	shalt  }
0x52: {  	_ =	shalt  }
0x53: {  	_ =	shalt  }
0x54: {  	_ =	shalt  }
0x55: {  	_ =	shalt  }
0x56: {  	_ =	shalt  }
0x57: {  	_ =	shalt  }
0x58: {  	_ =	shalt  }
0x59: {  	_ =	shalt  }
0x5a: {  	_ =	shalt  }
0x5b: {  	_ =	shalt  }
0x5c: {  	_ =	shalt  }
0x5d: {  	_ =	shalt  }
0x5e: {  	_ =	shalt  }
0x5f: {  	_ =	shalt  }
0x60: {  	_ =	shalt  }
0x61: {  	_ =	shalt  }
0x62: {  	_ =	shalt  }
0x63: {  	_ =	shalt  }
0x64: {  	_ =	shalt  }
0x65: {  	_ =	shalt  }
0x66: {  	_ =	shalt  }
0x67: {  	_ =	shalt  }
0x68: {  	_ =	shalt  }
0x69: {  	_ =	shalt  }
0x6a: {  	_ =	shalt  }
0x6b: {  	_ =	shalt  }
0x6c: {  	_ =	shalt  }
0x6d: {  	_ =	shalt  }
0x6e: {  	_ =	shalt  }
0x6f: {  	_ =	shalt  }
0x70: {  	_ =	shalt  }
0x71: {  	_ =	shalt  }
0x72: {  	_ =	shalt  }
0x73: {  	_ =	shalt  }
0x74: {  	_ =	shalt  }
0x75: {  	_ =	shalt  }
0x76: {  	_ =	shalt  }
0x77: {  	_ =	shalt  }
0x78: {  	_ =	shalt  }
0x79: {  	_ =	shalt  }
0x7a: {  	_ =	shalt  }
0x7b: {  	_ =	shalt  }
0x7c: {  	_ =	shalt  }
0x7d: {  	_ =	shalt  }
0x7e: {  	_ =	shalt  }
0x7f: {  	_ =	shalt  }
0x80: {  	_ =	shalt  }
0x81: {  	_ =	shalt  }
0x82: {  	_ =	shalt  }
0x83: {  	_ =	shalt  }
0x84: {  	_ =	shalt  }
0x85: {  	_ =	shalt  }
0x86: {  	_ =	shalt  }
0x87: {  	_ =	shalt  }
.Lfunc_end0:
.L_simem_size_0:
called_computation.1_lowered:
.L_overlay_start_0:
0x88: {  	s2 =	sld [smem:$0x3FD9]  }
0x89: {  	s3 =	sld [smem:$0x3FFE];
	_ =	sdelay $0x1  }
0x8a: {  	s1 =	srdreg.scid  }
0x8b: {  	s0 =	sand.u32 $0x1, s1  }
0x8c: {  	s14 =	sshll.u32 s0, $0xA;
	s2 =	sadd.s32 s3, s2  }
0x8d: {  	s2 =	sadd.s32 s2, s14  }
0x8e: {  	[smem:$0x3FC6] =	sst s2  }
0x8f: {  	_ = 	snop  }
0x90: {  	s2 =	sld [smem:$0x3FD0];
	_ =	sdelay $0x2  }
0x91: {  	s4 =	simm.s32 $0xA;
	s5 =	simm.s32 $0x10;
	s15 =	sld [smem:$0x3FC8]  }
0x92: {  	[smem:s5], [sflag:s4] =	dma.local [hbm:s2], $0x1  }
0x93: {  	_ =	swait.eq [sflag:s4], $0x1  }
0x94: {  	[sflag:s4] =	ssyncset.done $0x0  }
0x95: {  	[sflag:s4] =	ssyncadd.s32 $0xFFFFFFFF  }
0x96: {  	s16 =	sld [smem:$0x10];
	(tm) =	ssettm $0x1  }
0x97: {  	s17 =	sld [smem:$0x3FFB];
	_ =	sdelay $0x3  }
0x98: {  	_ =	strace s17  }
0x99: {  	s4 =	sld [smem:$0x3FFC];
	_ =	sdelay $0x3  }
0x9a: {  	_ =	strace s4  }
0x9b: {  	s4 =	sld [smem:$0x3FFD];
	_ =	sdelay $0x3  }
0x9c: {  	_ =	strace s4  }
0x9d: {  	_ =	strace $0x8FFFFFFF  }
0x9e: {  	s18 =	sld [smem:$0x3FDB];
	_ =	sdelay $0x1  }
0x9f: {  	s19 =	simm.s32 $_scs_section_size  }
0xa0: {  	s6 =	simm.s32 $_size__tile_overlayer_lowered;
	s7 =	simm.s32 $_tile_overlayer_lowered  }
0xa1: {  	s22 =	simm.s32 $0x1BFF;
	s21 =	sshll.u32 s7, $0x1;
	s4 =	sadd.s32 s19, s18  }
0xa2: {  	s8 =	simm.s32 $0x0;
	s20 =	sshll.u32 s6, $0x1;
	s6 =	sadd.s32 s21, s4  }
0xa3: {  	[timem:s8], [sflag:s22] =	dma.local [hbm:s6], s20  }
0xa4: {  	_ =	swait.ge [sflag:s22], s20  }
0xa5: {  	s5 =	ssub.s32 $0x0, s20;
	[sflag:s22] =	ssyncset.done $0x0  }
0xa6: {  	[sflag:s22] =	ssyncadd.s32 s5;
	_ =	sdelay $0x1  }
0xa7: {  	s23 =	simm.s32 $0x1B8B  }
0xa8: {  	_ =	swait.ge [sflag:s23], $0x1  }
0xa9: {  	[sflag:s23] =	ssyncset.done $0x0  }
0xaa: {  	s25 =	simm.s32 $0x1B8E;
	s24 =	sld [smem:$0x3FFE];
	[sflag:s23] =	ssyncadd.s32 $0xFFFFFFFF  }
0xab: {  	s26 =	simm.s32 $execute0_lowered;
	[smem:$0x3FD2] =	sst s25  }
0xac: {  	s6 =	sshll.u32 s26, $0x1;
	_ =	strace $0x80000049;
	[dreg:$0x1] =	wrdreg $0xFFFFFFFF  }
0xad: {  	s28 =	simm.s32 $_size_execute0_lowered;
	s4 =	sadd.s32 s4, s6;
	[dreg:$0x0] =	wrdreg $0x0  }
0xae: {  	s6 =	sshll.u32 s28, $0x1;
	[dreg:$0x2] =	wrdreg s4  }
0xaf: {  	[dreg:$0x3] =	wrdreg s6  }
0xb0: {  	[dreg:$0x4] =	wrdreg $0xC0  }
0xb1: {  	_ =	task [dreg:s8], $0x5FFFF  }
0xb2: {  	[dreg:$0x1] =	wrdreg $0xFFFFFFFF  }
0xb3: {  	[dreg:$0x0] =	wrdreg $0x60  }
0xb4: {  	[dreg:$0x2] =	wrdreg s16  }
0xb5: {  	[dreg:$0x3] =	wrdreg s15  }
0xb6: {  	[dreg:$0x4] =	wrdreg s24  }
0xb7: {  	[dreg:$0x5] =	wrdreg $0x9  }
0xb8: {  	_ =	task.clear_ibuf [dreg:s8], $0x6FFFF;
	_ =	strace $0x90000049  }
0xb9: {  	s29 =	simm.s32 $0x9;
	_ =	strace $0x8000004B  }
0xba: {  	_ =	swait.ge [sflag:s29], $0x1  }
0xbb: {  	[sflag:s29] =	ssyncadd.s32 $0xFFFFFFFF  }
0xbc: {  	_ =	strace $0x9000004B  }
0xbd: {  	_ =	sfence  }
0xbe: {  	s30 =	sld [smem:$0x0];
	_ =	sdelay $0x2  }
0xbf: {  	s31 =	sshll.u32 s1, $0xD;
	s1 =	sshrl.u32 s1, $0x2  }
0xc0: {  	s3 =	sand.u32 $0x4000, s31;
	s1 =	sadd.s32 s1, s30  }
0xc1: {  	s0 =	sor.u32 s3, s0;
	s1 =	sshll.u32 s1, $0x11  }
0xc2: {  	s0 =	sor.u32 s1, s0  }
0xc3: {  	s0 =	sadd.s32 $0x8F2B, s0  }
0xc4: {  	[sflag:s0] =	ssyncadd.remote.s32 $0x1  }
0xc5: {  	_ =	sfence.sel $0xFFFF  }
0xc6: {  	[dreg:$0x0] =	wrdreg $0xFFFFFFFF;
	(pc) =	sbr.abs _section_cstart, $3  }
0xc7: {  	[dreg:$0x1] =	wrdreg $0xFFFFFFFF  }
0xc8: {  	_ =	task.clear_ibuf [dreg:s8], $0x2FFFF;
	_ =	strace $0x9FFFFFFF  }
0xc9: {  	(tm) =	ssettm $0x7FFFFFFF  }
tec
execute0_lowered:
.L_overlay_start_1:
0x0: {  	(tag) =	ssettag $0x1  }
0x1: {  	s1 =	rddreg [dreg:$0x0]  }
0x2: {  	s2 =	rddreg [dreg:$0x1]  }
0x3: {  	s4 =	rddreg [dreg:$0x2]  }
0x4: {  	s0 =	rddreg [dreg:$0x3]  }
0x5: {  	s3 =	simm.s32 $0x0;
	s5 =	srdreg.scid;
	s9 =	simm.s32 $0x800  }
0x6: {  	s10 =	simm.s32 $0x8800;
	s11 =	simm.s32 $0x0;
	s6 =	sand.u32 $0x1, s5  }
0x7: {  	[smem:$0x7FF] =	sst s3;
	s5 =	sadd.s32 $0x800, s4;
	s7 =	ssub.s32 $0x2, s6  }
0x8: {  	s4 =	stileid.u32;
	_ =	strace $0x8000004A;
	s8 =	sshrl.u32 s7, $0x1  }
0x9: {  	s31 =	sshll.u32 s4, $0x12;
	s6 =	sshll.u32 s6, $0x11;
	s7 =	ssub.s32 s7, s8  }
0xa: {  	s6 =	sor.u32 s6, s31;
	s8 =	simm.s32 $0x1;
	s7 =	smax.u32 s7, $0x1  }
.LBB2_1:
0xb: {  	[tilespmem:s3], [sflag:$0x1] =	stream.linear.gather [hbm4b:s2+s3], $0x800, $0x38;
	[tilespmem:$0x10800] =	vst v63  }
0xc: {  	_ =	swait.ge [sflag:s8], $0x800  }
0xd: {  	[sflag:s8] =	ssyncset.done $0x0  }
0xe: {  	s12 =	simm.s32 $0x0;
	[sflag:s8] =	ssyncadd.s32 $0xFFFFF800  }
.LBB2_2:
0xf: {  	s13 =	sshll.u32 s12, $0xC  }
0x10: {  	s13 =	sadd.s32 s6, s13  }
0x11: {  	s15 =	simm.s32 $0x0;
	s14 =	sadd.s32 s1, s13  }
0x12: {  	[tilespmem:s9], [sflag:$0x1] =	stream.linear.gather [hbm4b:s14+s15], $0x8000, $0x38;
	[tilespmem:$0x10800] =	vst v63  }
0x13: {  	_ =	swait.ge [sflag:s8], $0x8000  }
0x14: {  	[sflag:s8] =	ssyncset.done $0x0  }
0x15: {  	[sflag:s8] =	ssyncadd.s32 $0xFFFF8000  }
0x16: {  	v0 =	vld [tilespmem:s15+$0x0];
	_ =	sdelay $0x7  }
0x17: {  	v1 =	vld.idx.msk [tilespmem:v0+s9+$0x0], $0xffff  }
0x18: {  	v2 =	vadd.s32 $0x800, v0;
	_ =	sdelay $0x2  }
0x19: {  	s14 =	simm.s32 $0x8800  }
0x1a: {  	[tilespmem:s14+$0x0] =	vst v1  }
0x1b: {  	v1 =	vld.idx.msk [tilespmem:v2+s9+$0x0], $0xffff  }
0x1c: {  	v51 =	vadd.s32 $0x1000, v0;
	_ =	sdelay $0x2  }
0x1d: {  	s15 =	sand.u32 $0x7F0, s15  }
0x1e: {  	[tilespmem:s15+$0x9000] =	vst v1  }
0x1f: {  	v1 =	vld.idx.msk [tilespmem:v51+s9+$0x0], $0xffff  }
0x20: {  	v52 =	vadd.s32 $0x1800, v0;
	_ =	sdelay $0x3  }
0x21: {  	[tilespmem:s15+$0x9800] =	vst v1  }
0x22: {  	v1 =	vld.idx.msk [tilespmem:v52+s9+$0x0], $0xffff  }
0x23: {  	v53 =	vadd.s32 $0x2000, v0;
	_ =	sdelay $0x3  }
0x24: {  	[tilespmem:s15+$0xA000] =	vst v1  }
0x25: {  	v1 =	vld.idx.msk [tilespmem:v53+s9+$0x0], $0xffff  }
0x26: {  	v54 =	vadd.s32 $0x2800, v0;
	_ =	sdelay $0x3  }
0x27: {  	[tilespmem:s15+$0xA800] =	vst v1  }
0x28: {  	v1 =	vld.idx.msk [tilespmem:v54+s9+$0x0], $0xffff  }
0x29: {  	v55 =	vadd.s32 $0x3000, v0;
	_ =	sdelay $0x3  }
0x2a: {  	[tilespmem:s15+$0xB000] =	vst v1  }
0x2b: {  	v1 =	vld.idx.msk [tilespmem:v55+s9+$0x0], $0xffff  }
0x2c: {  	v56 =	vadd.s32 $0x3800, v0;
	_ =	sdelay $0x3  }
0x2d: {  	[tilespmem:s15+$0xB800] =	vst v1  }
0x2e: {  	v1 =	vld.idx.msk [tilespmem:v56+s9+$0x0], $0xffff  }
0x2f: {  	v57 =	vadd.s32 $0x4000, v0;
	_ =	sdelay $0x3  }
0x30: {  	[tilespmem:s15+$0xC000] =	vst v1  }
0x31: {  	v1 =	vld.idx.msk [tilespmem:v57+s9+$0x0], $0xffff  }
0x32: {  	v58 =	vadd.s32 $0x4800, v0;
	_ =	sdelay $0x3  }
0x33: {  	[tilespmem:s15+$0xC800] =	vst v1  }
0x34: {  	v1 =	vld.idx.msk [tilespmem:v58+s9+$0x0], $0xffff  }
0x35: {  	v59 =	vadd.s32 $0x5000, v0;
	_ =	sdelay $0x3  }
0x36: {  	[tilespmem:s15+$0xD000] =	vst v1  }
0x37: {  	v1 =	vld.idx.msk [tilespmem:v59+s9+$0x0], $0xffff  }
0x38: {  	v60 =	vadd.s32 $0x5800, v0;
	_ =	sdelay $0x3  }
0x39: {  	[tilespmem:s15+$0xD800] =	vst v1  }
0x3a: {  	v1 =	vld.idx.msk [tilespmem:v60+s9+$0x0], $0xffff  }
0x3b: {  	v61 =	vadd.s32 $0x6000, v0;
	_ =	sdelay $0x3  }
0x3c: {  	[tilespmem:s15+$0xE000] =	vst v1  }
0x3d: {  	v1 =	vld.idx.msk [tilespmem:v61+s9+$0x0], $0xffff  }
0x3e: {  	v62 =	vadd.s32 $0x6800, v0;
	_ =	sdelay $0x3  }
0x3f: {  	[tilespmem:s15+$0xE800] =	vst v1  }
0x40: {  	v1 =	vld.idx.msk [tilespmem:v62+s9+$0x0], $0xffff  }
0x41: {  	v63 =	vadd.s32 $0x7000, v0;
	_ =	sdelay $0x3  }
0x42: {  	[tilespmem:s15+$0xF000] =	vst v1  }
0x43: {  	v1 =	vld.idx.msk [tilespmem:v63+s9+$0x0], $0xffff  }
0x44: {  	v0 =	vadd.s32 $0x7800, v0;
	_ =	sdelay $0x3  }
0x45: {  	[tilespmem:s15+$0xF800] =	vst v1  }
0x46: {  	v0 =	vld.idx.msk [tilespmem:v0+s9+$0x0], $0xffff;
	_ =	sdelay $0x4  }
0x47: {  	s16 =	simm.s32 $0x10;
	[tilespmem:s15+$0x10000] =	vst v0;
	s15 =	simm.s32 $0x10  }
.LBB2_3:
0x48: {  	v1 =	vld [tilespmem:s15+$0x0];
	p0 =	sne.s32 s16, $0x7F0;
	_ =	sdelay $0x4  }
0x49: {  	v0 =	vadd.s32 $0x7800, v1;
	_ =	sdelay $0x2  }
0x4a: {  	v2 =	vld.idx.msk [tilespmem:v1+s9+$0x0], $0xffff;
	_ =	sdelay $0x1  }
0x4b: {  	v3 =	vadd.s32 $0x800, v1;
	_ =	sdelay $0x2  }
0x4c: {  	s14 =	sadd.s32 $0x10, s14  }
0x4d: {  	[tilespmem:s14+$0x0] =	vst v2  }
0x4e: {  	v2 =	vld.idx.msk [tilespmem:v3+s9+$0x0], $0xffff;
	_ =	sdelay $0x1  }
0x4f: {  	v3 =	vadd.s32 $0x1000, v1;
	_ =	sdelay $0x2  }
0x50: {  	s17 =	sand.u32 $0x7F0, s16  }
0x51: {  	[tilespmem:s17+$0x9000] =	vst v2  }
0x52: {  	v2 =	vld.idx.msk [tilespmem:v3+s9+$0x0], $0xffff;
	_ =	sdelay $0x1  }
0x53: {  	v3 =	vadd.s32 $0x1800, v1;
	_ =	sdelay $0x3  }
0x54: {  	[tilespmem:s17+$0x9800] =	vst v2  }
0x55: {  	v2 =	vld.idx.msk [tilespmem:v3+s9+$0x0], $0xffff;
	_ =	sdelay $0x1  }
0x56: {  	v3 =	vadd.s32 $0x2000, v1;
	_ =	sdelay $0x3  }
0x57: {  	[tilespmem:s17+$0xA000] =	vst v2  }
0x58: {  	v2 =	vld.idx.msk [tilespmem:v3+s9+$0x0], $0xffff;
	_ =	sdelay $0x1  }
0x59: {  	v3 =	vadd.s32 $0x2800, v1;
	_ =	sdelay $0x3  }
0x5a: {  	[tilespmem:s17+$0xA800] =	vst v2  }
0x5b: {  	v2 =	vld.idx.msk [tilespmem:v3+s9+$0x0], $0xffff;
	_ =	sdelay $0x1  }
0x5c: {  	v3 =	vadd.s32 $0x3000, v1;
	_ =	sdelay $0x3  }
0x5d: {  	[tilespmem:s17+$0xB000] =	vst v2  }
0x5e: {  	v2 =	vld.idx.msk [tilespmem:v3+s9+$0x0], $0xffff;
	_ =	sdelay $0x1  }
0x5f: {  	v3 =	vadd.s32 $0x3800, v1;
	_ =	sdelay $0x3  }
0x60: {  	[tilespmem:s17+$0xB800] =	vst v2  }
0x61: {  	v2 =	vld.idx.msk [tilespmem:v3+s9+$0x0], $0xffff;
	_ =	sdelay $0x1  }
0x62: {  	v3 =	vadd.s32 $0x4000, v1;
	_ =	sdelay $0x3  }
0x63: {  	[tilespmem:s17+$0xC000] =	vst v2  }
0x64: {  	v2 =	vld.idx.msk [tilespmem:v3+s9+$0x0], $0xffff;
	_ =	sdelay $0x1  }
0x65: {  	v3 =	vadd.s32 $0x4800, v1;
	_ =	sdelay $0x3  }
0x66: {  	[tilespmem:s17+$0xC800] =	vst v2  }
0x67: {  	v2 =	vld.idx.msk [tilespmem:v3+s9+$0x0], $0xffff;
	_ =	sdelay $0x1  }
0x68: {  	v3 =	vadd.s32 $0x5000, v1;
	_ =	sdelay $0x3  }
0x69: {  	[tilespmem:s17+$0xD000] =	vst v2  }
0x6a: {  	v2 =	vld.idx.msk [tilespmem:v3+s9+$0x0], $0xffff;
	_ =	sdelay $0x1  }
0x6b: {  	v3 =	vadd.s32 $0x5800, v1;
	_ =	sdelay $0x3  }
0x6c: {  	[tilespmem:s17+$0xD800] =	vst v2  }
0x6d: {  	v2 =	vld.idx.msk [tilespmem:v3+s9+$0x0], $0xffff;
	_ =	sdelay $0x1  }
0x6e: {  	v3 =	vadd.s32 $0x6000, v1;
	_ =	sdelay $0x3  }
0x6f: {  	[tilespmem:s17+$0xE000] =	vst v2  }
0x70: {  	v2 =	vld.idx.msk [tilespmem:v3+s9+$0x0], $0xffff;
	_ =	sdelay $0x1  }
0x71: {  	v3 =	vadd.s32 $0x6800, v1;
	_ =	sdelay $0x3  }
0x72: {  	[tilespmem:s17+$0xE800] =	vst v2  }
0x73: {  	v2 =	vld.idx.msk [tilespmem:v3+s9+$0x0], $0xffff;
	_ =	sdelay $0x1  }
0x74: {  	v1 =	vadd.s32 $0x7000, v1;
	_ =	sdelay $0x3  }
0x75: {  	[tilespmem:s17+$0xF000] =	vst v2  }
0x76: {  	v1 =	vld.idx.msk [tilespmem:v1+s9+$0x0], $0xffff;
	_ =	sdelay $0x5  }
0x77: {  	[tilespmem:s17+$0xF800] =	vst v1  }
0x78: {  	v0 =	vld.idx.msk [tilespmem:v0+s9+$0x0], $0xffff;
	_ =	sdelay $0x1  }
.Ltmp0:
0x79: {  	(pc) =	sbr.rel @p0 .LBB2_3-.Ltmp0, $2  }
0x7a: {  	_ =	sdelay $0x2  }
0x7b: {  	s15 =	sadd.s32 $0x10, s15;
	s16 =	sadd.s32 $0x10, s16;
	[tilespmem:s17+$0x10000] =	vst v0  }
0x7c: {  	s12 =	sadd.s32 $0x1, s12  }
0x7d: {  	p0 =	sne.s32 s12, $0x20  }
.Ltmp1:
0x7e: {  	s13 =	sadd.s32 s5, s13;
	(pc) =	sbr.rel @p0 .LBB2_2-.Ltmp1, $4  }
0x7f: {  	[hbm4b:s13+s3] =	stream.linear.scatter [tilespmem:s10], [sflag:$0x1], $0x8000, $0x38;
	[tilespmem:$0x10800] =	vst v63  }
0x80: {  	_ =	swait.ge [sflag:s8], $0x8000  }
0x81: {  	[sflag:s8] =	ssyncset.done $0x0  }
0x82: {  	[sflag:s8] =	ssyncadd.s32 $0xFFFF8000  }
0x83: {  	s11 =	sadd.s32 $0x1, s11  }
0x84: {  	p0 =	sne.s32 s11, s7  }
.Ltmp2:
0x85: {  	_ = 	snop;
	(pc) =	sbr.rel @p0 .LBB2_1-.Ltmp2, $1  }
0x86: {  	_ =	sdelay $0x3  }
0x87: {  	_ =	sfence.sel $0x180000  }
0x88: {  	[bflag:$0x0] =	sbarrier.arrive $0xFFFF  }
0x89: {  	p0 =	sne.s32 s4, $0x0;
	_ =	strace $0x9000004A  }
0x8a: {  	s0 =	sadd.s32 @!p0 $0x100000, s0;
	[bflag:$0x2] =	sbarrier.arrive $0xFFFF  }
0x8b: {  	[sflag:s0] =	ssyncadd.tile.s32 @!p0 $0x1;
	_ =	shalt  }
.Lfunc_end2:
_tile_overlayer_lowered:
.L_overlay_start_2:
0x8c: {  	(tag) =	ssettag $0x2  }
0x8d: {  	s0 =	rddreg [dreg:$0x0];
	s2 =	stileid.u32  }
0x8e: {  	s1 =	rddreg [dreg:$0x1];
	p0 =	sne.s32 s2, $0x0  }
0x8f: {  	s3 =	rddreg [dreg:$0x2];
	[bflag:$0x3] =	sbarrier.arrive $0xFFFF;
	s2 =	simm.s32 @!p0 $0x1C01  }
0x90: {  	[timem:s3], [sflag:s2] =	dma.local @!p0 [hbm:s0], s1  }
0x91: {  	s0 =	simm.s32 @!p0 $0x1  }
0x92: {  	_ =	swait.ge @!p0 [sflag:s0], s1  }
0x93: {  	s1 =	ssub.s32 @!p0 $0x0, s1;
	[sflag:s0] =	ssyncset.done @!p0 $0x0  }
0x94: {  	[sflag:s0] =	ssyncadd.s32 @!p0 s1  }
0x95: {  	[bflag:$0x3] =	sbarrier.arrive $0xFFFF  }
0x96: {  	_ =	shalt  }

// kernel: sparse-core-data-format-call.cloned.1.call-start
scs
called_computation_lowered:
.L_overlay_start_0:
0x0: {  	s2 =	sld [smem:$0x3FD9]  }
0x1: {  	s3 =	sld [smem:$0x3FFE];
	_ =	sdelay $0x1  }
0x2: {  	s1 =	srdreg.scid  }
0x3: {  	s0 =	sand.u32 $0x1, s1  }
0x4: {  	s16 =	sshll.u32 s0, $0xA;
	s2 =	sadd.s32 s3, s2  }
0x5: {  	s2 =	sadd.s32 s2, s16  }
0x6: {  	[smem:$0x3FC6] =	sst s2  }
0x7: {  	_ = 	snop  }
0x8: {  	s2 =	sld [smem:$0x3FD0];
	_ =	sdelay $0x2  }
0x9: {  	s4 =	simm.s32 $0xA;
	s5 =	simm.s32 $0x10;
	s17 =	sld [smem:$0x3FC9]  }
0xa: {  	[smem:s5], [sflag:s4] =	dma.local [hbm:s2], $0x1  }
0xb: {  	_ =	swait.eq [sflag:s4], $0x1  }
0xc: {  	[sflag:s4] =	ssyncset.done $0x0  }
0xd: {  	[sflag:s4] =	ssyncadd.s32 $0xFFFFFFFF  }
0xe: {  	s18 =	sld [smem:$0x10];
	(tm) =	ssettm $0x1  }
0xf: {  	s19 =	sld [smem:$0x3FFB];
	_ =	sdelay $0x3  }
0x10: {  	_ =	strace s19  }
0x11: {  	s4 =	sld [smem:$0x3FFC];
	_ =	sdelay $0x3  }
0x12: {  	_ =	strace s4  }
0x13: {  	s4 =	sld [smem:$0x3FFD];
	_ =	sdelay $0x3  }
0x14: {  	_ =	strace s4  }
0x15: {  	_ =	strace $0x8FFFFFFF  }
0x16: {  	s20 =	sld [smem:$0x3FDB];
	_ =	sdelay $0x1  }
0x17: {  	s21 =	simm.s32 $_scs_section_size  }
0x18: {  	s6 =	simm.s32 $_size__tile_overlayer_lowered;
	s7 =	simm.s32 $_tile_overlayer_lowered  }
0x19: {  	s24 =	simm.s32 $0x1BFF;
	s23 =	sshll.u32 s7, $0x1;
	s4 =	sadd.s32 s21, s20  }
0x1a: {  	s8 =	simm.s32 $0x0;
	s22 =	sshll.u32 s6, $0x1;
	s6 =	sadd.s32 s23, s4  }
0x1b: {  	[timem:s8], [sflag:s24] =	dma.local [hbm:s6], s22  }
0x1c: {  	_ =	swait.ge [sflag:s24], s22  }
0x1d: {  	s5 =	ssub.s32 $0x0, s22;
	[sflag:s24] =	ssyncset.done $0x0  }
0x1e: {  	[sflag:s24] =	ssyncadd.s32 s5;
	_ =	sdelay $0x1  }
0x1f: {  	s25 =	simm.s32 $0x1B8B  }
0x20: {  	_ =	swait.ge [sflag:s25], $0x1  }
0x21: {  	[sflag:s25] =	ssyncset.done $0x0  }
0x22: {  	s26 =	simm.s32 $0x1B8E;
	[sflag:s25] =	ssyncadd.s32 $0xFFFFFFFF  }
0x23: {  	s27 =	simm.s32 $execute0_lowered;
	[smem:$0x3FD2] =	sst s26  }
0x24: {  	s5 =	sshll.u32 s27, $0x1;
	_ =	strace $0x80000046;
	[dreg:$0x1] =	wrdreg $0xFFFFFFFF  }
0x25: {  	s28 =	simm.s32 $_size_execute0_lowered;
	s4 =	sadd.s32 s4, s5;
	[dreg:$0x0] =	wrdreg $0x0  }
0x26: {  	s5 =	sshll.u32 s28, $0x1;
	[dreg:$0x2] =	wrdreg s4  }
0x27: {  	[dreg:$0x3] =	wrdreg s5  }
0x28: {  	[dreg:$0x4] =	wrdreg $0xC0  }
0x29: {  	_ =	task [dreg:s8], $0x5FFFF  }
0x2a: {  	[dreg:$0x1] =	wrdreg $0xFFFFFFFF  }
0x2b: {  	[dreg:$0x0] =	wrdreg $0x60  }
0x2c: {  	[dreg:$0x2] =	wrdreg s17  }
0x2d: {  	[dreg:$0x3] =	wrdreg s18  }
0x2e: {  	[dreg:$0x4] =	wrdreg $0x9  }
0x2f: {  	_ =	task.clear_ibuf [dreg:s8], $0x5FFFF;
	_ =	strace $0x90000046  }
0x30: {  	s29 =	simm.s32 $0x9;
	_ =	strace $0x80000048  }
0x31: {  	_ =	swait.ge [sflag:s29], $0x1  }
0x32: {  	[sflag:s29] =	ssyncadd.s32 $0xFFFFFFFF  }
0x33: {  	_ =	strace $0x90000048  }
0x34: {  	_ =	sfence  }
0x35: {  	s30 =	sld [smem:$0x0];
	_ =	sdelay $0x2  }
0x36: {  	s31 =	sshll.u32 s1, $0xD;
	s1 =	sshrl.u32 s1, $0x2  }
0x37: {  	s3 =	sand.u32 $0x4000, s31;
	s1 =	sadd.s32 s1, s30  }
0x38: {  	s0 =	sor.u32 s3, s0;
	s1 =	sshll.u32 s1, $0x11  }
0x39: {  	s0 =	sor.u32 s1, s0  }
0x3a: {  	s0 =	sadd.s32 $0x8F2B, s0  }
0x3b: {  	[sflag:s0] =	ssyncadd.remote.s32 $0x1  }
0x3c: {  	_ =	sfence.sel $0xFFFF  }
0x3d: {  	[dreg:$0x0] =	wrdreg $0xFFFFFFFF;
	(pc) =	sbr.abs _section_cstart, $3  }
0x3e: {  	[dreg:$0x1] =	wrdreg $0xFFFFFFFF  }
0x3f: {  	_ =	task.clear_ibuf [dreg:s8], $0x2FFFF;
	_ =	strace $0x9FFFFFFF  }
0x40: {  	(tm) =	ssettm $0x7FFFFFFF  }
0x41: {  	_ =	shalt  }
tec
execute0_lowered:
.L_overlay_start_1:
0x0: {  	(tag) =	ssettag $0x1  }
0x1: {  	s2 =	rddreg [dreg:$0x0]  }
0x2: {  	s3 =	rddreg [dreg:$0x1]  }
0x3: {  	s0 =	rddreg [dreg:$0x2];
	s4 =	srdreg.scid  }
.Ltmp0:
0x4: {  	_ =	strace $0x80000047;
	s1 =	stileid.u32;
	(pc) =	sbr.rel .LBB1_1-.Ltmp0, $4  }
0x5: {  	s6 =	simm.s32 $0x2;
	p0 =	por $0x0, $0x0;
	s5 =	sshll.u32 s4, $0x4  }
0x6: {  	s9 =	simm.s32 $0x0;
	s4 =	simm.s32 $0x1;
	s5 =	sand.u32 $0x10, s5  }
0x7: {  	s7 =	simm.s32 $0x0;
	[sflag:s4] =	ssyncpa.u1 $0x0;
	s5 =	sor.u32 s1, s5  }
0x8: {  	[sflag:s6] =	ssyncpa.u1 $0x0;
	s6 =	simm.s32 $0x0;
	s8 =	smov.u32 s5  }
.LBB1_7:
0x9: {  	s11 =	sadd.s32 $0x20, s8  }
0xa: {  	p1 =	slt.u32 s7, $0x2;
	s7 =	sadd.s32 $0x1, s7;
	p2 =	sgt.s32 s11, $0x7FF  }
0xb: {  	s11 =	smov.u32 @p2 s5;
	p2 =	sne.s32 s7, $0x42  }
.Ltmp1:
0xc: {  	_ = 	snop;
	(pc) =	sbr.rel @!p2 .LBB1_8-.Ltmp1, $4  }
0xd: {  	s10 =	simm.s32 @!p1 $0x2  }
0xe: {  	_ =	swait.ge @!p1 [sflag:s10], $0x4000  }
0xf: {  	s9 =	smov.u32 s8;
	[sflag:s10] =	ssyncset.done @!p1 $0x0  }
0x10: {  	p0 =	por !p0, !p0;
	s8 =	smov.u32 s11;
	[sflag:s10] =	ssyncadd.s32 @!p1 $0xFFFFC000  }
.LBB1_1:
0x11: {  	p1 =	sgt.u32 s7, $0x3F  }
0x12: {  	s10 =	sxor.u32 @!p1 $0xFFFFFFFF, s7  }
0x13: {  	s11 =	sshll.u32 @!p1 s8, $0xB;
	s10 =	sshll.u32 @!p1 s10, $0xE  }
0x14: {  	s12 =	simm.s32 @!p1 $0x0;
	s11 =	sadd.s32 @!p1 s2, s11;
	s10 =	sand.u32 @!p1 $0x4000, s10  }
0x15: {  	[tilespmem:s10], [sflag:$0x1] =	stream.linear.gather @!p1 [hbm4b:s11+s12], $0x4000, $0x38;
	[tilespmem:$0x10000] =	vst v63  }
0x16: {  	p1 =	seq.s32 s7, $0x0  }
0x17: {  	p2 =	seq.s32 @!p1 s7, $0x41  }
0x18: {  	p1 =	por p1, p2  }
.Ltmp2:
0x19: {  	_ = 	snop;
	(pc) =	sbr.rel @p1 .LBB1_7-.Ltmp2, $1  }
0x1a: {  	_ =	sdelay $0x3  }
0x1b: {  	s10 =	simm.s32 $0x1;
	_ =	swait.ge [sflag:s4], $0x4000;
	s12 =	sshll.u32 s7, $0xE  }
0x1c: {  	s13 =	simm.s32 $0x0;
	s10 =	simm.s32 @!p0 $0x0;
	[sflag:s4] =	ssyncset.done $0x0  }
0x1d: {  	s12 =	sand.u32 $0x4000, s12;
	s11 =	sshll.u32 s10, $0xE;
	[sflag:s4] =	ssyncadd.s32 $0xFFFFC000  }
0x1e: {  	s12 =	sor.u32 $0x8000, s12;
	s10 =	sor.u32 $0x8040, s11;
	s11 =	sor.u32 $0x40, s11  }
.LBB1_3:
0x1f: {  	v0 =	vmov s11;
	_ =	sdelay $0x3  }
0x20: {  	s15 =	simm.s32 $0x0  }
0x21: {  	v6 =	vld.idx.msk [tilespmem:v0+s15+$0x30 ss:$0x1], $0xffff  }
0x22: {  	v7 =	vld.idx.msk [tilespmem:v0+s15+$0xFFFFFFC0 ss:$0x1], $0xffff  }
0x23: {  	v5 =	vld.idx.msk [tilespmem:v0+s15+$0xFFFFFFD0 ss:$0x1], $0xffff  }
0x24: {  	v4 =	vld.idx.msk [tilespmem:v0+s15+$0xFFFFFFE0 ss:$0x1], $0xffff  }
0x25: {  	v3 =	vld.idx.msk [tilespmem:v0+s15+$0xFFFFFFF0 ss:$0x1], $0xffff  }
0x26: {  	v1 =	vld.idx.msk [tilespmem:v0+s15+$0x0 ss:$0x1], $0xffff  }
0x27: {  	v2 =	vld.idx.msk [tilespmem:v0+s15+$0x10 ss:$0x1], $0xffff;
	[tilespmem:s10+$0x30] =	vst v6  }
0x28: {  	s14 =	simm.s32 $0x80;
	s16 =	simm.s32 $0x400;
	[tilespmem:s10+$0xFFFFFFC0] =	vst v7;
	v6 =	vld.idx.msk [tilespmem:v0+s15+$0x20 ss:$0x1], $0xffff;
	s15 =	smov.u32 s10  }
.LBB1_4:
0x29: {  	p1 =	sne.s32 s16, $0xE00;
	v7 =	vld.idx.msk [tilespmem:v0+s14+$0x30 ss:$0x1], $0xffff;
	[tilespmem:s15+$0xFFFFFFD0] =	vst v5  }
0x2a: {  	v8 =	vld.idx.msk [tilespmem:v0+s14+$0xFFFFFFC0 ss:$0x1], $0xffff;
	[tilespmem:s15+$0xFFFFFFE0] =	vst v4  }
0x2b: {  	v5 =	vld.idx.msk [tilespmem:v0+s14+$0xFFFFFFD0 ss:$0x1], $0xffff;
	[tilespmem:s15+$0xFFFFFFF0] =	vst v3  }
.Ltmp3:
0x2c: {  	v4 =	vld.idx.msk [tilespmem:v0+s14+$0xFFFFFFE0 ss:$0x1], $0xffff;
	[tilespmem:s15+$0x0] =	vst v1;
	(pc) =	sbr.rel @p1 .LBB1_4-.Ltmp3, $4  }
0x2d: {  	v3 =	vld.idx.msk [tilespmem:v0+s14+$0xFFFFFFF0 ss:$0x1], $0xffff;
	[tilespmem:s15+$0x10] =	vst v2  }
0x2e: {  	v1 =	vld.idx.msk [tilespmem:v0+s14+$0x0 ss:$0x1], $0xffff;
	[tilespmem:s15+$0x20] =	vst v6;
	s15 =	sadd.s32 $0x800, s15  }
0x2f: {  	v2 =	vld.idx.msk [tilespmem:v0+s14+$0x10 ss:$0x1], $0xffff;
	[tilespmem:s15+$0x30] =	vst v7  }
0x30: {  	[tilespmem:s15+$0xFFFFFFC0] =	vst v8;
	v6 =	vld.idx.msk [tilespmem:v0+s14+$0x20 ss:$0x1], $0xffff;
	s14 =	sshra.s32 s16, $0x2;
	s16 =	sadd.s32 $0x200, s16  }
0x31: {  	_ =	sdelay $0x2  }
0x32: {  	[tilespmem:s15+$0xFFFFFFD0] =	vst v5  }
0x33: {  	v56 =	vld.idx.msk [tilespmem:v0+s14+$0x30 ss:$0x1], $0xffff;
	[tilespmem:s15+$0xFFFFFFE0] =	vst v4  }
0x34: {  	v57 =	vld.idx.msk [tilespmem:v0+s14+$0xFFFFFFC0 ss:$0x1], $0xffff;
	[tilespmem:s15+$0xFFFFFFF0] =	vst v3  }
0x35: {  	v58 =	vld.idx.msk [tilespmem:v0+s14+$0xFFFFFFD0 ss:$0x1], $0xffff;
	[tilespmem:s15+$0x0] =	vst v1  }
0x36: {  	v59 =	vld.idx.msk [tilespmem:v0+s14+$0xFFFFFFE0 ss:$0x1], $0xffff;
	[tilespmem:s15+$0x10] =	vst v2  }
0x37: {  	v60 =	vld.idx.msk [tilespmem:v0+s14+$0xFFFFFFF0 ss:$0x1], $0xffff;
	s31 =	sadd.s32 $0x800, s15;
	[tilespmem:s15+$0x20] =	vst v6  }
0x38: {  	v61 =	vld.idx.msk [tilespmem:v0+s14+$0x0 ss:$0x1], $0xffff;
	[tilespmem:s31+$0x30] =	vst v56  }
0x39: {  	v62 =	vld.idx.msk [tilespmem:v0+s14+$0x10 ss:$0x1], $0xffff;
	s13 =	sadd.s32 $0x1, s13;
	[tilespmem:s31+$0xFFFFFFC0] =	vst v57  }
0x3a: {  	v63 =	vld.idx.msk [tilespmem:v0+s14+$0x20 ss:$0x1], $0xffff;
	p1 =	sne.s32 s13, $0x10;
	[tilespmem:s31+$0xFFFFFFD0] =	vst v58  }
.Ltmp4:
0x3b: {  	[tilespmem:s31+$0xFFFFFFE0] =	vst v59;
	(pc) =	sbr.rel @p1 .LBB1_3-.Ltmp4, $4  }
0x3c: {  	[tilespmem:s31+$0xFFFFFFF0] =	vst v60  }
0x3d: {  	[tilespmem:s31+$0x0] =	vst v61  }
0x3e: {  	[tilespmem:s31+$0x10] =	vst v62  }
0x3f: {  	s10 =	sadd.s32 $0x80, s10;
	s11 =	sadd.s32 $0x400, s11;
	[tilespmem:s31+$0x20] =	vst v63  }
.Ltmp5:
0x40: {  	(pc) =	sbr.rel .LBB1_7-.Ltmp5, $4  }
0x41: {  	_ = 	snop  }
0x42: {  	s9 =	sshll.u32 s9, $0xB  }
0x43: {  	s9 =	sadd.s32 s3, s9  }
0x44: {  	[hbm4b:s9+s6] =	stream.linear.scatter [tilespmem:s12], [sflag:$0x2], $0x4000, $0x38;
	[tilespmem:$0x10000] =	vst v63  }
.LBB1_8:
0x45: {  	_ =	sfence.sel $0x180000  }
0x46: {  	s2 =	simm.s32 $0x1;
	[bflag:$0x0] =	sbarrier.arrive $0xFFFF  }
0x47: {  	s31 =	simm.s32 $0x2;
	[sflag:s2] =	ssyncpa.u1 $0x1  }
0x48: {  	[sflag:s31] =	ssyncpa.u1 $0x1  }
0x49: {  	p0 =	sne.s32 s1, $0x0;
	_ =	strace $0x90000047  }
0x4a: {  	s0 =	sadd.s32 @!p0 $0x100000, s0;
	[bflag:$0x2] =	sbarrier.arrive $0xFFFF  }
0x4b: {  	[sflag:s0] =	ssyncadd.tile.s32 @!p0 $0x1;
	_ =	shalt  }
.Lfunc_end1:
_tile_overlayer_lowered:
.L_overlay_start_2:
0x4c: {  	(tag) =	ssettag $0x2  }
0x4d: {  	s0 =	rddreg [dreg:$0x0];
	s2 =	stileid.u32  }
0x4e: {  	s1 =	rddreg [dreg:$0x1];
	p0 =	sne.s32 s2, $0x0  }
0x4f: {  	s3 =	rddreg [dreg:$0x2];
	[bflag:$0x3] =	sbarrier.arrive $0xFFFF;
	s2 =	simm.s32 @!p0 $0x1C01  }
0x50: {  	[timem:s3], [sflag:s2] =	dma.local @!p0 [hbm:s0], s1  }
0x51: {  	s0 =	simm.s32 @!p0 $0x1  }
0x52: {  	_ =	swait.ge @!p0 [sflag:s0], s1  }
0x53: {  	s1 =	ssub.s32 @!p0 $0x0, s1;
	[sflag:s0] =	ssyncset.done @!p0 $0x0  }
0x54: {  	[sflag:s0] =	ssyncadd.s32 @!p0 s1  }
0x55: {  	[bflag:$0x3] =	sbarrier.arrive $0xFFFF  }
0x56: {  	_ =	shalt  }

</sc_bundles>
